<compile_context>
chip_gen: v7x
topology: tpu7x:2x2x1
jax: 0.10.2.dev20260603
libtpu: 0.0.44.dev20260713+nightly
codegen_flags: <defaults>
</compile_context>

<pallas_src>
import functools

import jax
import jax.numpy as jnp
from jax import lax
from jax.experimental import pallas as pl
from jax.experimental.pallas import tpu as pltpu
from jax.experimental.pallas import tpu_sc as plsc

IY = 225
IX = 224
IYB = (IY // 128) * 128
B, H, W, C = 32, 450, 449, 24
NCH = 6
BPT = 2
NT = B // BPT
OPT = BPT * NCH


def _sc_point_gather(xt, chan):
    mesh = plsc.VectorSubcoreMesh(
        core_axis_name="c", subcore_axis_name="s", num_cores=1
    )

    @functools.partial(
        pl.kernel,
        mesh=mesh,
        out_type=jax.ShapeDtypeStruct((NCH, B), jnp.float32),
        scratch_types=[
            pltpu.VMEM((BPT, C, 128), jnp.float32),
            pltpu.VMEM((16,), jnp.int32),
            pltpu.VMEM((16,), jnp.float32),
            pltpu.VMEM_SHARED((NT * 16,), jnp.float32),
            pltpu.VMEM((NT * 16,), jnp.float32),
            pltpu.VMEM((NCH, B), jnp.float32),
        ],
        compiler_params=pltpu.CompilerParams(needs_layout_passes=False),
    )
    def k(xt_hbm, chan_hbm, out_hbm, win_v, chan_v, row_v, shared, asm_v, out_v):
        s = lax.axis_index("s")
        lanes = lax.iota(jnp.int32, 16)
        six = jnp.full((16,), NCH, jnp.int32)
        pltpu.sync_copy(
            xt_hbm.at[pl.ds(s * BPT, BPT), IX, :, pl.ds(IYB, 128)], win_v
        )
        pltpu.sync_copy(chan_hbm, chan_v.at[pl.ds(0, NCH)])
        b = jnp.minimum(lax.div(lanes, six), jnp.full((16,), BPT - 1, jnp.int32))
        c = plsc.load_gather(chan_v, [lax.rem(lanes, six)])
        yoff = jnp.full((16,), IY - IYB, jnp.int32)
        row_v[...] = plsc.load_gather(win_v, [b, c, yoff])
        pltpu.sync_copy(row_v, shared.at[pl.ds(s * 16, 16)])
        plsc.subcore_barrier()

        @pl.when(s == 0)
        def _():
            pltpu.sync_copy(shared, asm_v)
            two = jnp.full((16,), BPT, jnp.int32)
            sixteen = jnp.full((16,), 16, jnp.int32)
            for j in range(NCH):
                for h in range(2):
                    bb = lanes + h * 16
                    idx = lax.div(bb, two) * sixteen + lax.rem(bb, two) * six + j
                    out_v[j, pl.ds(h * 16, 16)] = plsc.load_gather(asm_v, [idx])
            pltpu.sync_copy(out_v, out_hbm)

    return k(xt, chan)


def kernel(x, chan):
    xt = x.transpose(0, 2, 3, 1)
    return _sc_point_gather(xt, chan.astype(jnp.int32)).T

# --- scband reference (transcript-rebuilt; emitter-appended) ---
"""Pipeline reference for scband-stub-model-44203803410766 (READ-ONLY COPY).

The authoritative reference and input builder live on the scoring server;
editing this copy changes nothing except your own understanding.
"""

import jax, jax.numpy as jnp
import numpy as np

IY = 225
IX = 224

def setup_inputs(seed: int = 0) -> dict:
    key = jax.random.key(seed)
    x = jax.random.normal(key, (32, 450, 449, 24), dtype=jnp.float32)
    chan = jnp.array([0, 3, 7, 11, 15, 19], dtype=jnp.int64)
    return {"x": x, "chan": chan}

def reference(x, chan):
    # point = x[:, iy, ix, :]  -> (B, c)
    point = x[:, IY, IX, :]
    # point[:, chan]           -> (B, 6)
    return jnp.take(point, chan, axis=1)

if __name__ == "__main__":
    import jax
    _d = setup_inputs()
    print(jax.jit(kernel)(*tuple(_d.values())))

</pallas_src>

<mosaic_0001>
#map = affine_map<(d0, d1) -> (0, 0, 0, 0)>
#map1 = affine_map<(d0, d1) -> (0)>
#map2 = affine_map<(d0, d1) -> (0, 0)>
module attributes {stable_mosaic.version = 14 : i64} {
  func.func @k(%arg0: i32, %arg1: i32, %arg2: memref<32x449x24x450xf32, #tpu.memory_space<hbm>>, %arg3: memref<6xi32, #tpu.memory_space<hbm>>, %arg4: memref<6x32xf32, #tpu.memory_space<hbm>>, %arg5: memref<2x24x128xf32, #tpu.memory_space<vmem>>, %arg6: memref<16xi32, #tpu.memory_space<vmem>>, %arg7: memref<16xf32, #tpu.memory_space<vmem>>, %arg8: memref<256xf32, #tpu.memory_space<vmem_shared>>, %arg9: memref<256xf32, #tpu.memory_space<vmem>>, %arg10: memref<6x32xf32, #tpu.memory_space<vmem>>) attributes {dimension_semantics = [#tpu.dimension_semantics<core_parallel>, #tpu.dimension_semantics<subcore_parallel>], iteration_bounds = array<i64: 1, 16>, scalar_prefetch = 0 : i64, scratch_operands = 6 : i64, tpu.core_type = #tpu.core_type<sc_vector_subcore>, window_params = [{transform_indices = #map}, {transform_indices = #map1}, {transform_indices = #map2}]} {
    %iota3A = tpu.iota {dimensions = array<i32: 0>} : vector<16xi32>
    %broadcast_in_dim3A = arith.constant 6 : i32
    %broadcast_in_dim3A_0 = vector.broadcast %broadcast_in_dim3A : i32 to vector<16xi32>
    %mul3A = arith.constant 2 : i32
    %mul3A_1 = arith.muli %arg1, %mul3A : i32
    %run_scoped3A = arith.constant 224 : i32
    "tpu.region"() ({
      %run_scoped3A_12 = tpu.sem_alloc : memref<!tpu.dma_semaphore, #tpu.memory_space<semaphore_mem>>
      %dma_start3A = arith.constant 0 : i32
      %dma_start3A_13 = arith.constant 128 : i32
      %dma_start3A_14 = tpu.memref_slice %arg2[%mul3A_1, %run_scoped3A, %dma_start3A, %dma_start3A_13] : memref<32x449x24x450xf32, #tpu.memory_space<hbm>> -> memref<2x1x24x128xf32, #tpu.memory_space<hbm>>
      %dma_start3A_15 = tpu.memref_squeeze %dma_start3A_14 : memref<2x1x24x128xf32, #tpu.memory_space<hbm>> -> memref<2x24x128xf32, #tpu.memory_space<hbm>>
      %dma_start3A_16 = arith.constant 0 : i32
      %dma_start3A_17 = arith.constant 128 : i32
      %dma_start3A_18 = tpu.memref_slice %arg2[%mul3A_1, %run_scoped3A, %dma_start3A_16, %dma_start3A_17] : memref<32x449x24x450xf32, #tpu.memory_space<hbm>> -> memref<2x1x24x128xf32, #tpu.memory_space<hbm>>
      %dma_start3A_19 = tpu.memref_squeeze %dma_start3A_18 : memref<2x1x24x128xf32, #tpu.memory_space<hbm>> -> memref<2x24x128xf32, #tpu.memory_space<hbm>>
      tpu.enqueue_dma source(%dma_start3A_19 : memref<2x24x128xf32, #tpu.memory_space<hbm>>) target(%arg5 : memref<2x24x128xf32, #tpu.memory_space<vmem>>) target_semaphore(%run_scoped3A_12 : memref<!tpu.dma_semaphore, #tpu.memory_space<semaphore_mem>>)
      %dma_wait3A = arith.constant 0 : i32
      %dma_wait3A_20 = arith.constant 128 : i32
      %dma_wait3A_21 = tpu.memref_slice %arg2[%mul3A_1, %run_scoped3A, %dma_wait3A, %dma_wait3A_20] : memref<32x449x24x450xf32, #tpu.memory_space<hbm>> -> memref<2x1x24x128xf32, #tpu.memory_space<hbm>>
      %dma_wait3A_22 = tpu.memref_squeeze %dma_wait3A_21 : memref<2x1x24x128xf32, #tpu.memory_space<hbm>> -> memref<2x24x128xf32, #tpu.memory_space<hbm>>
      %dma_wait3A_23 = arith.constant 0 : i32
      %dma_wait3A_24 = arith.constant 128 : i32
      %dma_wait3A_25 = tpu.memref_slice %arg2[%mul3A_1, %run_scoped3A, %dma_wait3A_23, %dma_wait3A_24] : memref<32x449x24x450xf32, #tpu.memory_space<hbm>> -> memref<2x1x24x128xf32, #tpu.memory_space<hbm>>
      %dma_wait3A_26 = tpu.memref_squeeze %dma_wait3A_25 : memref<2x1x24x128xf32, #tpu.memory_space<hbm>> -> memref<2x24x128xf32, #tpu.memory_space<hbm>>
      tpu.wait_dma2 semaphore(%run_scoped3A_12 : memref<!tpu.dma_semaphore, #tpu.memory_space<semaphore_mem>>) src(%dma_wait3A_26 : memref<2x24x128xf32, #tpu.memory_space<hbm>>) dst(%arg5 : memref<2x24x128xf32, #tpu.memory_space<vmem>>)
      tpu.yield
    }) : () -> ()
    "tpu.region"() ({
      %run_scoped3A_12 = tpu.sem_alloc : memref<!tpu.dma_semaphore, #tpu.memory_space<semaphore_mem>>
      %dma_start3A = arith.constant 0 : i32
      %dma_start3A_13 = tpu.memref_slice %arg6[%dma_start3A] : memref<16xi32, #tpu.memory_space<vmem>> -> memref<6xi32, #tpu.memory_space<vmem>>
      %dma_start3A_14 = arith.constant 0 : i32
      %dma_start3A_15 = tpu.memref_slice %arg6[%dma_start3A_14] : memref<16xi32, #tpu.memory_space<vmem>> -> memref<6xi32, #tpu.memory_space<vmem>>
      tpu.enqueue_dma source(%arg3 : memref<6xi32, #tpu.memory_space<hbm>>) target(%dma_start3A_15 : memref<6xi32, #tpu.memory_space<vmem>>) target_semaphore(%run_scoped3A_12 : memref<!tpu.dma_semaphore, #tpu.memory_space<semaphore_mem>>)
      %dma_wait3A = arith.constant 0 : i32
      %dma_wait3A_16 = tpu.memref_slice %arg6[%dma_wait3A] : memref<16xi32, #tpu.memory_space<vmem>> -> memref<6xi32, #tpu.memory_space<vmem>>
      %dma_wait3A_17 = arith.constant 0 : i32
      %dma_wait3A_18 = tpu.memref_slice %arg6[%dma_wait3A_17] : memref<16xi32, #tpu.memory_space<vmem>> -> memref<6xi32, #tpu.memory_space<vmem>>
      tpu.wait_dma2 semaphore(%run_scoped3A_12 : memref<!tpu.dma_semaphore, #tpu.memory_space<semaphore_mem>>) src(%arg3 : memref<6xi32, #tpu.memory_space<hbm>>) dst(%dma_wait3A_18 : memref<6xi32, #tpu.memory_space<vmem>>)
      tpu.yield
    }) : () -> ()
    %div3A = arith.divsi %iota3A, %broadcast_in_dim3A_0 : vector<16xi32>
    %broadcast_in_dim3A_2 = arith.constant 1 : i32
    %broadcast_in_dim3A_3 = vector.broadcast %broadcast_in_dim3A_2 : i32 to vector<16xi32>
    %min3A = arith.minsi %div3A, %broadcast_in_dim3A_3 : vector<16xi32>
    %rem3A = arith.remsi %iota3A, %broadcast_in_dim3A_0 : vector<16xi32>
    %gather3A = tpu.vector_load_idx %arg6[%rem3A] : memref<16xi32, #tpu.memory_space<vmem>>[vector<16xi32>], vector<16xi32>,
    %broadcast_in_dim3A_4 = arith.constant 97 : i32
    %broadcast_in_dim3A_5 = vector.broadcast %broadcast_in_dim3A_4 : i32 to vector<16xi32>
    %gather3A_6 = tpu.vector_load_idx %arg5[%min3A, %gather3A, %broadcast_in_dim3A_5] : memref<2x24x128xf32, #tpu.memory_space<vmem>>[vector<16xi32>, vector<16xi32>, vector<16xi32>], vector<16xf32>,
    %swap3A = arith.constant 0 : index
    %swap3A_7 = tpu.vector_load %arg7[%swap3A] {strides = array<i32>} : memref<16xf32, #tpu.memory_space<vmem>>, vector<16xf32>,
    tpu.vector_store %arg7[%swap3A], %gather3A_6 {strides = array<i32>} : memref<16xf32, #tpu.memory_space<vmem>>, vector<16xf32>,
    %mul3A_8 = arith.constant 16 : i32
    %mul3A_9 = arith.muli %arg1, %mul3A_8 : i32
    "tpu.region"() ({
      %run_scoped3A_12 = tpu.sem_alloc : memref<!tpu.dma_semaphore, #tpu.memory_space<semaphore_mem>>
      %dma_start3A = tpu.memref_slice %arg8[%mul3A_9] : memref<256xf32, #tpu.memory_space<vmem_shared>> -> memref<16xf32, #tpu.memory_space<vmem_shared>>
      %dma_start3A_13 = tpu.memref_slice %arg8[%mul3A_9] : memref<256xf32, #tpu.memory_space<vmem_shared>> -> memref<16xf32, #tpu.memory_space<vmem_shared>>
      tpu.enqueue_dma source(%arg7 : memref<16xf32, #tpu.memory_space<vmem>>) target(%dma_start3A_13 : memref<16xf32, #tpu.memory_space<vmem_shared>>) target_semaphore(%run_scoped3A_12 : memref<!tpu.dma_semaphore, #tpu.memory_space<semaphore_mem>>)
      %dma_wait3A = tpu.memref_slice %arg8[%mul3A_9] : memref<256xf32, #tpu.memory_space<vmem_shared>> -> memref<16xf32, #tpu.memory_space<vmem_shared>>
      %dma_wait3A_14 = tpu.memref_slice %arg8[%mul3A_9] : memref<256xf32, #tpu.memory_space<vmem_shared>> -> memref<16xf32, #tpu.memory_space<vmem_shared>>
      tpu.wait_dma2 semaphore(%run_scoped3A_12 : memref<!tpu.dma_semaphore, #tpu.memory_space<semaphore_mem>>) src(%arg7 : memref<16xf32, #tpu.memory_space<vmem>>) dst(%dma_wait3A_14 : memref<16xf32, #tpu.memory_space<vmem_shared>>)
      tpu.yield
    }) : () -> ()
    %barrier3A = arith.constant 0 : index
    tpu.barrier barrier_id(%barrier3A)
    %eq3A = arith.constant 0 : i32
    %eq3A_10 = arith.cmpi eq, %arg1, %eq3A : i32
    %convert_element_type3A = arith.extui %eq3A_10 : i1 to i32
    %cond3A = arith.constant 0 : i32
    %cond3A_11 = arith.cmpi ne, %convert_element_type3A, %cond3A : i32
    scf.if %cond3A_11 {
      "tpu.region"() ({
        %run_scoped3A_207 = tpu.sem_alloc : memref<!tpu.dma_semaphore, #tpu.memory_space<semaphore_mem>>
        tpu.enqueue_dma source(%arg8 : memref<256xf32, #tpu.memory_space<vmem_shared>>) target(%arg9 : memref<256xf32, #tpu.memory_space<vmem>>) target_semaphore(%run_scoped3A_207 : memref<!tpu.dma_semaphore, #tpu.memory_space<semaphore_mem>>)
        tpu.wait_dma2 semaphore(%run_scoped3A_207 : memref<!tpu.dma_semaphore, #tpu.memory_space<semaphore_mem>>) src(%arg8 : memref<256xf32, #tpu.memory_space<vmem_shared>>) dst(%arg9 : memref<256xf32, #tpu.memory_space<vmem>>)
        tpu.yield
      }) : () -> ()
      %broadcast_in_dim3A_12 = arith.constant 2 : i32
      %broadcast_in_dim3A_13 = vector.broadcast %broadcast_in_dim3A_12 : i32 to vector<16xi32>
      %broadcast_in_dim3A_14 = arith.constant 16 : i32
      %broadcast_in_dim3A_15 = vector.broadcast %broadcast_in_dim3A_14 : i32 to vector<16xi32>
      %add3A = arith.constant 0 : i32
      %add3A_16 = vector.broadcast %add3A : i32 to vector<16xi32>
      %add3A_17 = arith.addi %iota3A, %add3A_16 : vector<16xi32>
      %div3A_18 = arith.divsi %add3A_17, %broadcast_in_dim3A_13 : vector<16xi32>
      %mul3A_19 = arith.muli %div3A_18, %broadcast_in_dim3A_15 : vector<16xi32>
      %rem3A_20 = arith.remsi %add3A_17, %broadcast_in_dim3A_13 : vector<16xi32>
      %mul3A_21 = arith.muli %rem3A_20, %broadcast_in_dim3A_0 : vector<16xi32>
      %add3A_22 = arith.addi %mul3A_19, %mul3A_21 : vector<16xi32>
      %add3A_23 = arith.constant 0 : i32
      %add3A_24 = vector.broadcast %add3A_23 : i32 to vector<16xi32>
      %add3A_25 = arith.addi %add3A_22, %add3A_24 : vector<16xi32>
      %gather3A_26 = tpu.vector_load_idx %arg9[%add3A_25] : memref<256xf32, #tpu.memory_space<vmem>>[vector<16xi32>], vector<16xf32>,
      %swap3A_27 = arith.constant 0 : i32
      %swap3A_28 = arith.index_cast %swap3A_27 : i32 to index
      %swap3A_29 = arith.constant 0 : index
      %swap3A_30 = tpu.vector_load %arg10[%swap3A_28, %swap3A_29] {strides = array<i32>} : memref<6x32xf32, #tpu.memory_space<vmem>>, vector<16xf32>,
      tpu.vector_store %arg10[%swap3A_28, %swap3A_29], %gather3A_26 {strides = array<i32>} : memref<6x32xf32, #tpu.memory_space<vmem>>, vector<16xf32>,
      %add3A_31 = arith.constant 16 : i32
      %add3A_32 = vector.broadcast %add3A_31 : i32 to vector<16xi32>
      %add3A_33 = arith.addi %iota3A, %add3A_32 : vector<16xi32>
      %div3A_34 = arith.divsi %add3A_33, %broadcast_in_dim3A_13 : vector<16xi32>
      %mul3A_35 = arith.muli %div3A_34, %broadcast_in_dim3A_15 : vector<16xi32>
      %rem3A_36 = arith.remsi %add3A_33, %broadcast_in_dim3A_13 : vector<16xi32>
      %mul3A_37 = arith.muli %rem3A_36, %broadcast_in_dim3A_0 : vector<16xi32>
      %add3A_38 = arith.addi %mul3A_35, %mul3A_37 : vector<16xi32>
      %add3A_39 = arith.constant 0 : i32
      %add3A_40 = vector.broadcast %add3A_39 : i32 to vector<16xi32>
      %add3A_41 = arith.addi %add3A_38, %add3A_40 : vector<16xi32>
      %gather3A_42 = tpu.vector_load_idx %arg9[%add3A_41] : memref<256xf32, #tpu.memory_space<vmem>>[vector<16xi32>], vector<16xf32>,
      %swap3A_43 = arith.constant 0 : i32
      %swap3A_44 = arith.index_cast %swap3A_43 : i32 to index
      %swap3A_45 = arith.constant 16 : index
      %swap3A_46 = tpu.vector_load %arg10[%swap3A_44, %swap3A_45] {strides = array<i32>} : memref<6x32xf32, #tpu.memory_space<vmem>>, vector<16xf32>,
      tpu.vector_store %arg10[%swap3A_44, %swap3A_45], %gather3A_42 {strides = array<i32>} : memref<6x32xf32, #tpu.memory_space<vmem>>, vector<16xf32>,
      %add3A_47 = arith.constant 0 : i32
      %add3A_48 = vector.broadcast %add3A_47 : i32 to vector<16xi32>
      %add3A_49 = arith.addi %iota3A, %add3A_48 : vector<16xi32>
      %div3A_50 = arith.divsi %add3A_49, %broadcast_in_dim3A_13 : vector<16xi32>
      %mul3A_51 = arith.muli %div3A_50, %broadcast_in_dim3A_15 : vector<16xi32>
      %rem3A_52 = arith.remsi %add3A_49, %broadcast_in_dim3A_13 : vector<16xi32>
      %mul3A_53 = arith.muli %rem3A_52, %broadcast_in_dim3A_0 : vector<16xi32>
      %add3A_54 = arith.addi %mul3A_51, %mul3A_53 : vector<16xi32>
      %add3A_55 = arith.constant 1 : i32
      %add3A_56 = vector.broadcast %add3A_55 : i32 to vector<16xi32>
      %add3A_57 = arith.addi %add3A_54, %add3A_56 : vector<16xi32>
      %gather3A_58 = tpu.vector_load_idx %arg9[%add3A_57] : memref<256xf32, #tpu.memory_space<vmem>>[vector<16xi32>], vector<16xf32>,
      %swap3A_59 = arith.constant 1 : i32
      %swap3A_60 = arith.index_cast %swap3A_59 : i32 to index
      %swap3A_61 = arith.constant 0 : index
      %swap3A_62 = tpu.vector_load %arg10[%swap3A_60, %swap3A_61] {strides = array<i32>} : memref<6x32xf32, #tpu.memory_space<vmem>>, vector<16xf32>,
      tpu.vector_store %arg10[%swap3A_60, %swap3A_61], %gather3A_58 {strides = array<i32>} : memref<6x32xf32, #tpu.memory_space<vmem>>, vector<16xf32>,
      %add3A_63 = arith.constant 16 : i32
      %add3A_64 = vector.broadcast %add3A_63 : i32 to vector<16xi32>
      %add3A_65 = arith.addi %iota3A, %add3A_64 : vector<16xi32>
      %div3A_66 = arith.divsi %add3A_65, %broadcast_in_dim3A_13 : vector<16xi32>
      %mul3A_67 = arith.muli %div3A_66, %broadcast_in_dim3A_15 : vector<16xi32>
      %rem3A_68 = arith.remsi %add3A_65, %broadcast_in_dim3A_13 : vector<16xi32>
      %mul3A_69 = arith.muli %rem3A_68, %broadcast_in_dim3A_0 : vector<16xi32>
      %add3A_70 = arith.addi %mul3A_67, %mul3A_69 : vector<16xi32>
      %add3A_71 = arith.constant 1 : i32
      %add3A_72 = vector.broadcast %add3A_71 : i32 to vector<16xi32>
      %add3A_73 = arith.addi %add3A_70, %add3A_72 : vector<16xi32>
      %gather3A_74 = tpu.vector_load_idx %arg9[%add3A_73] : memref<256xf32, #tpu.memory_space<vmem>>[vector<16xi32>], vector<16xf32>,
      %swap3A_75 = arith.constant 1 : i32
      %swap3A_76 = arith.index_cast %swap3A_75 : i32 to index
      %swap3A_77 = arith.constant 16 : index
      %swap3A_78 = tpu.vector_load %arg10[%swap3A_76, %swap3A_77] {strides = array<i32>} : memref<6x32xf32, #tpu.memory_space<vmem>>, vector<16xf32>,
      tpu.vector_store %arg10[%swap3A_76, %swap3A_77], %gather3A_74 {strides = array<i32>} : memref<6x32xf32, #tpu.memory_space<vmem>>, vector<16xf32>,
      %add3A_79 = arith.constant 0 : i32
      %add3A_80 = vector.broadcast %add3A_79 : i32 to vector<16xi32>
      %add3A_81 = arith.addi %iota3A, %add3A_80 : vector<16xi32>
      %div3A_82 = arith.divsi %add3A_81, %broadcast_in_dim3A_13 : vector<16xi32>
      %mul3A_83 = arith.muli %div3A_82, %broadcast_in_dim3A_15 : vector<16xi32>
      %rem3A_84 = arith.remsi %add3A_81, %broadcast_in_dim3A_13 : vector<16xi32>
      %mul3A_85 = arith.muli %rem3A_84, %broadcast_in_dim3A_0 : vector<16xi32>
      %add3A_86 = arith.addi %mul3A_83, %mul3A_85 : vector<16xi32>
      %add3A_87 = arith.constant 2 : i32
      %add3A_88 = vector.broadcast %add3A_87 : i32 to vector<16xi32>
      %add3A_89 = arith.addi %add3A_86, %add3A_88 : vector<16xi32>
      %gather3A_90 = tpu.vector_load_idx %arg9[%add3A_89] : memref<256xf32, #tpu.memory_space<vmem>>[vector<16xi32>], vector<16xf32>,
      %swap3A_91 = arith.constant 2 : i32
      %swap3A_92 = arith.index_cast %swap3A_91 : i32 to index
      %swap3A_93 = arith.constant 0 : index
      %swap3A_94 = tpu.vector_load %arg10[%swap3A_92, %swap3A_93] {strides = array<i32>} : memref<6x32xf32, #tpu.memory_space<vmem>>, vector<16xf32>,
      tpu.vector_store %arg10[%swap3A_92, %swap3A_93], %gather3A_90 {strides = array<i32>} : memref<6x32xf32, #tpu.memory_space<vmem>>, vector<16xf32>,
      %add3A_95 = arith.constant 16 : i32
      %add3A_96 = vector.broadcast %add3A_95 : i32 to vector<16xi32>
      %add3A_97 = arith.addi %iota3A, %add3A_96 : vector<16xi32>
      %div3A_98 = arith.divsi %add3A_97, %broadcast_in_dim3A_13 : vector<16xi32>
      %mul3A_99 = arith.muli %div3A_98, %broadcast_in_dim3A_15 : vector<16xi32>
      %rem3A_100 = arith.remsi %add3A_97, %broadcast_in_dim3A_13 : vector<16xi32>
      %mul3A_101 = arith.muli %rem3A_100, %broadcast_in_dim3A_0 : vector<16xi32>
      %add3A_102 = arith.addi %mul3A_99, %mul3A_101 : vector<16xi32>
      %add3A_103 = arith.constant 2 : i32
      %add3A_104 = vector.broadcast %add3A_103 : i32 to vector<16xi32>
      %add3A_105 = arith.addi %add3A_102, %add3A_104 : vector<16xi32>
      %gather3A_106 = tpu.vector_load_idx %arg9[%add3A_105] : memref<256xf32, #tpu.memory_space<vmem>>[vector<16xi32>], vector<16xf32>,
      %swap3A_107 = arith.constant 2 : i32
      %swap3A_108 = arith.index_cast %swap3A_107 : i32 to index
      %swap3A_109 = arith.constant 16 : index
      %swap3A_110 = tpu.vector_load %arg10[%swap3A_108, %swap3A_109] {strides = array<i32>} : memref<6x32xf32, #tpu.memory_space<vmem>>, vector<16xf32>,
      tpu.vector_store %arg10[%swap3A_108, %swap3A_109], %gather3A_106 {strides = array<i32>} : memref<6x32xf32, #tpu.memory_space<vmem>>, vector<16xf32>,
      %add3A_111 = arith.constant 0 : i32
      %add3A_112 = vector.broadcast %add3A_111 : i32 to vector<16xi32>
      %add3A_113 = arith.addi %iota3A, %add3A_112 : vector<16xi32>
      %div3A_114 = arith.divsi %add3A_113, %broadcast_in_dim3A_13 : vector<16xi32>
      %mul3A_115 = arith.muli %div3A_114, %broadcast_in_dim3A_15 : vector<16xi32>
      %rem3A_116 = arith.remsi %add3A_113, %broadcast_in_dim3A_13 : vector<16xi32>
      %mul3A_117 = arith.muli %rem3A_116, %broadcast_in_dim3A_0 : vector<16xi32>
      %add3A_118 = arith.addi %mul3A_115, %mul3A_117 : vector<16xi32>
      %add3A_119 = arith.constant 3 : i32
      %add3A_120 = vector.broadcast %add3A_119 : i32 to vector<16xi32>
      %add3A_121 = arith.addi %add3A_118, %add3A_120 : vector<16xi32>
      %gather3A_122 = tpu.vector_load_idx %arg9[%add3A_121] : memref<256xf32, #tpu.memory_space<vmem>>[vector<16xi32>], vector<16xf32>,
      %swap3A_123 = arith.constant 3 : i32
      %swap3A_124 = arith.index_cast %swap3A_123 : i32 to index
      %swap3A_125 = arith.constant 0 : index
      %swap3A_126 = tpu.vector_load %arg10[%swap3A_124, %swap3A_125] {strides = array<i32>} : memref<6x32xf32, #tpu.memory_space<vmem>>, vector<16xf32>,
      tpu.vector_store %arg10[%swap3A_124, %swap3A_125], %gather3A_122 {strides = array<i32>} : memref<6x32xf32, #tpu.memory_space<vmem>>, vector<16xf32>,
      %add3A_127 = arith.constant 16 : i32
      %add3A_128 = vector.broadcast %add3A_127 : i32 to vector<16xi32>
      %add3A_129 = arith.addi %iota3A, %add3A_128 : vector<16xi32>
      %div3A_130 = arith.divsi %add3A_129, %broadcast_in_dim3A_13 : vector<16xi32>
      %mul3A_131 = arith.muli %div3A_130, %broadcast_in_dim3A_15 : vector<16xi32>
      %rem3A_132 = arith.remsi %add3A_129, %broadcast_in_dim3A_13 : vector<16xi32>
      %mul3A_133 = arith.muli %rem3A_132, %broadcast_in_dim3A_0 : vector<16xi32>
      %add3A_134 = arith.addi %mul3A_131, %mul3A_133 : vector<16xi32>
      %add3A_135 = arith.constant 3 : i32
      %add3A_136 = vector.broadcast %add3A_135 : i32 to vector<16xi32>
      %add3A_137 = arith.addi %add3A_134, %add3A_136 : vector<16xi32>
      %gather3A_138 = tpu.vector_load_idx %arg9[%add3A_137] : memref<256xf32, #tpu.memory_space<vmem>>[vector<16xi32>], vector<16xf32>,
      %swap3A_139 = arith.constant 3 : i32
      %swap3A_140 = arith.index_cast %swap3A_139 : i32 to index
      %swap3A_141 = arith.constant 16 : index
      %swap3A_142 = tpu.vector_load %arg10[%swap3A_140, %swap3A_141] {strides = array<i32>} : memref<6x32xf32, #tpu.memory_space<vmem>>, vector<16xf32>,
      tpu.vector_store %arg10[%swap3A_140, %swap3A_141], %gather3A_138 {strides = array<i32>} : memref<6x32xf32, #tpu.memory_space<vmem>>, vector<16xf32>,
      %add3A_143 = arith.constant 0 : i32
      %add3A_144 = vector.broadcast %add3A_143 : i32 to vector<16xi32>
      %add3A_145 = arith.addi %iota3A, %add3A_144 : vector<16xi32>
      %div3A_146 = arith.divsi %add3A_145, %broadcast_in_dim3A_13 : vector<16xi32>
      %mul3A_147 = arith.muli %div3A_146, %broadcast_in_dim3A_15 : vector<16xi32>
      %rem3A_148 = arith.remsi %add3A_145, %broadcast_in_dim3A_13 : vector<16xi32>
      %mul3A_149 = arith.muli %rem3A_148, %broadcast_in_dim3A_0 : vector<16xi32>
      %add3A_150 = arith.addi %mul3A_147, %mul3A_149 : vector<16xi32>
      %add3A_151 = arith.constant 4 : i32
      %add3A_152 = vector.broadcast %add3A_151 : i32 to vector<16xi32>
      %add3A_153 = arith.addi %add3A_150, %add3A_152 : vector<16xi32>
      %gather3A_154 = tpu.vector_load_idx %arg9[%add3A_153] : memref<256xf32, #tpu.memory_space<vmem>>[vector<16xi32>], vector<16xf32>,
      %swap3A_155 = arith.constant 4 : i32
      %swap3A_156 = arith.index_cast %swap3A_155 : i32 to index
      %swap3A_157 = arith.constant 0 : index
      %swap3A_158 = tpu.vector_load %arg10[%swap3A_156, %swap3A_157] {strides = array<i32>} : memref<6x32xf32, #tpu.memory_space<vmem>>, vector<16xf32>,
      tpu.vector_store %arg10[%swap3A_156, %swap3A_157], %gather3A_154 {strides = array<i32>} : memref<6x32xf32, #tpu.memory_space<vmem>>, vector<16xf32>,
      %add3A_159 = arith.constant 16 : i32
      %add3A_160 = vector.broadcast %add3A_159 : i32 to vector<16xi32>
      %add3A_161 = arith.addi %iota3A, %add3A_160 : vector<16xi32>
      %div3A_162 = arith.divsi %add3A_161, %broadcast_in_dim3A_13 : vector<16xi32>
      %mul3A_163 = arith.muli %div3A_162, %broadcast_in_dim3A_15 : vector<16xi32>
      %rem3A_164 = arith.remsi %add3A_161, %broadcast_in_dim3A_13 : vector<16xi32>
      %mul3A_165 = arith.muli %rem3A_164, %broadcast_in_dim3A_0 : vector<16xi32>
      %add3A_166 = arith.addi %mul3A_163, %mul3A_165 : vector<16xi32>
      %add3A_167 = arith.constant 4 : i32
      %add3A_168 = vector.broadcast %add3A_167 : i32 to vector<16xi32>
      %add3A_169 = arith.addi %add3A_166, %add3A_168 : vector<16xi32>
      %gather3A_170 = tpu.vector_load_idx %arg9[%add3A_169] : memref<256xf32, #tpu.memory_space<vmem>>[vector<16xi32>], vector<16xf32>,
      %swap3A_171 = arith.constant 4 : i32
      %swap3A_172 = arith.index_cast %swap3A_171 : i32 to index
      %swap3A_173 = arith.constant 16 : index
      %swap3A_174 = tpu.vector_load %arg10[%swap3A_172, %swap3A_173] {strides = array<i32>} : memref<6x32xf32, #tpu.memory_space<vmem>>, vector<16xf32>,
      tpu.vector_store %arg10[%swap3A_172, %swap3A_173], %gather3A_170 {strides = array<i32>} : memref<6x32xf32, #tpu.memory_space<vmem>>, vector<16xf32>,
      %add3A_175 = arith.constant 0 : i32
      %add3A_176 = vector.broadcast %add3A_175 : i32 to vector<16xi32>
      %add3A_177 = arith.addi %iota3A, %add3A_176 : vector<16xi32>
      %div3A_178 = arith.divsi %add3A_177, %broadcast_in_dim3A_13 : vector<16xi32>
      %mul3A_179 = arith.muli %div3A_178, %broadcast_in_dim3A_15 : vector<16xi32>
      %rem3A_180 = arith.remsi %add3A_177, %broadcast_in_dim3A_13 : vector<16xi32>
      %mul3A_181 = arith.muli %rem3A_180, %broadcast_in_dim3A_0 : vector<16xi32>
      %add3A_182 = arith.addi %mul3A_179, %mul3A_181 : vector<16xi32>
      %add3A_183 = arith.constant 5 : i32
      %add3A_184 = vector.broadcast %add3A_183 : i32 to vector<16xi32>
      %add3A_185 = arith.addi %add3A_182, %add3A_184 : vector<16xi32>
      %gather3A_186 = tpu.vector_load_idx %arg9[%add3A_185] : memref<256xf32, #tpu.memory_space<vmem>>[vector<16xi32>], vector<16xf32>,
      %swap3A_187 = arith.constant 5 : i32
      %swap3A_188 = arith.index_cast %swap3A_187 : i32 to index
      %swap3A_189 = arith.constant 0 : index
      %swap3A_190 = tpu.vector_load %arg10[%swap3A_188, %swap3A_189] {strides = array<i32>} : memref<6x32xf32, #tpu.memory_space<vmem>>, vector<16xf32>,
      tpu.vector_store %arg10[%swap3A_188, %swap3A_189], %gather3A_186 {strides = array<i32>} : memref<6x32xf32, #tpu.memory_space<vmem>>, vector<16xf32>,
      %add3A_191 = arith.constant 16 : i32
      %add3A_192 = vector.broadcast %add3A_191 : i32 to vector<16xi32>
      %add3A_193 = arith.addi %iota3A, %add3A_192 : vector<16xi32>
      %div3A_194 = arith.divsi %add3A_193, %broadcast_in_dim3A_13 : vector<16xi32>
      %mul3A_195 = arith.muli %div3A_194, %broadcast_in_dim3A_15 : vector<16xi32>
      %rem3A_196 = arith.remsi %add3A_193, %broadcast_in_dim3A_13 : vector<16xi32>
      %mul3A_197 = arith.muli %rem3A_196, %broadcast_in_dim3A_0 : vector<16xi32>
      %add3A_198 = arith.addi %mul3A_195, %mul3A_197 : vector<16xi32>
      %add3A_199 = arith.constant 5 : i32
      %add3A_200 = vector.broadcast %add3A_199 : i32 to vector<16xi32>
      %add3A_201 = arith.addi %add3A_198, %add3A_200 : vector<16xi32>
      %gather3A_202 = tpu.vector_load_idx %arg9[%add3A_201] : memref<256xf32, #tpu.memory_space<vmem>>[vector<16xi32>], vector<16xf32>,
      %swap3A_203 = arith.constant 5 : i32
      %swap3A_204 = arith.index_cast %swap3A_203 : i32 to index
      %swap3A_205 = arith.constant 16 : index
      %swap3A_206 = tpu.vector_load %arg10[%swap3A_204, %swap3A_205] {strides = array<i32>} : memref<6x32xf32, #tpu.memory_space<vmem>>, vector<16xf32>,
      tpu.vector_store %arg10[%swap3A_204, %swap3A_205], %gather3A_202 {strides = array<i32>} : memref<6x32xf32, #tpu.memory_space<vmem>>, vector<16xf32>,
      "tpu.region"() ({
        %run_scoped3A_207 = tpu.sem_alloc : memref<!tpu.dma_semaphore, #tpu.memory_space<semaphore_mem>>
        tpu.enqueue_dma source(%arg10 : memref<6x32xf32, #tpu.memory_space<vmem>>) target(%arg4 : memref<6x32xf32, #tpu.memory_space<hbm>>) target_semaphore(%run_scoped3A_207 : memref<!tpu.dma_semaphore, #tpu.memory_space<semaphore_mem>>)
        tpu.wait_dma2 semaphore(%run_scoped3A_207 : memref<!tpu.dma_semaphore, #tpu.memory_space<semaphore_mem>>) src(%arg10 : memref<6x32xf32, #tpu.memory_space<vmem>>) dst(%arg4 : memref<6x32xf32, #tpu.memory_space<hbm>>)
        tpu.yield
      }) : () -> ()
    } else {
    }
    return
  }
}

</mosaic_0001>

<sc_bundles>
// kernel: kernel.3.cloned.1.call-start
scs
__scs_entry_jumppad:
0x0: {  	(pc) =	sbr.rel $0x88, $3  }
0x1: {  	(tag) =	ssettag $0x0;
	lr =	simm.s32 $0x1  }
0x2: {  	[smem:$0x3F9F] =	sst lr;
	_ =	strace $0xD0000000  }
0x3: {  	_ = 	snop  }
0x4: {  	_ = 	snop  }
0x5: {  	_ = 	snop  }
0x6: {  	_ = 	snop  }
0x7: {  	_ = 	snop  }
__scs_overlays_trampoline_lowered:
0x8: {  	[smem:$0x3FAE] =	sst s0  }
0x9: {  	[smem:$0x3FAF] =	sst s1  }
0xa: {  	[smem:$0x3FB0] =	sst s2  }
0xb: {  	[smem:$0x3FB1] =	sst s3  }
0xc: {  	[smem:$0x3FB2] =	sst s4  }
0xd: {  	[smem:$0x3FB3] =	sst s5  }
0xe: {  	[smem:$0x3FB4] =	sst s6  }
0xf: {  	[smem:$0x3FB5] =	sst s7  }
0x10: {  	[smem:$0x3FB6] =	sst s8  }
0x11: {  	[smem:$0x3FB7] =	sst s9;
	s0 =	simm.s32 @!p0 $0x0  }
0x12: {  	s1 =	sld [smem:$0x3F9D];
	s0 =	simm.s32 @p0 $0x1  }
0x13: {  	[smem:$0x3FB8] =	sst s0;
	s0 =	simm.s32 @!p1 $0x0  }
0x14: {  	s2 =	sld [smem:$0x3F9C];
	s0 =	simm.s32 @p1 $0x1  }
0x15: {  	[smem:$0x3FB9] =	sst s0;
	s0 =	simm.s32 @!p2 $0x0  }
0x16: {  	s3 =	sld [smem:$0x3FDB];
	s0 =	simm.s32 @p2 $0x1  }
0x17: {  	s4 =	simm.s32 $0x1BF5;
	[smem:$0x3FBB] =	sst s0  }
0x18: {  	s0 =	sld [smem:$0x3F9E];
	_ =	swait.ge [sflag:s4], $0x0  }
0x19: {  	s7 =	sld [smem:$0x3F9F]  }
0x1a: {  	s8 =	sadd.s32 $0xFFFFE003, lr  }
0x1b: {  	s9 =	sadd.s32 $0xFFFFFEF7, lr;
	s5 =	simm.s32 $0xFFFFFFFF;
	p2 =	slt.u32 s8, $0xFFFFF086  }
0x1c: {  	p1 =	slt.u32 s9, $0xF7A;
	s5 =	simm.s32 @!p2 $0x0  }
0x1d: {  	s5 =	simm.s32 @p1 $0x1;
	p0 =	seq.s32 s7, s2  }
0x1e: {  	s7 =	smul.u32 @!p0 $0xF7A, s2;
	p2 =	seq.s32 @!p0 s5, $0x0  }
0x1f: {  	s9 =	smul.u32 $0xF7A, s1;
	s8 =	simm.s32 @!p0 $0x1BF5;
	p2 =	por !p2, p0  }
0x20: {  	[sflag:s8] =	ssyncset.s32 @!p0 $0xFFFFF086;
	s6 =	sadd.s32 @!p0 s3, s7;
	s7 =	simm.s32 @!p0 $0x108  }
0x21: {  	s3 =	sadd.s32 s3, s9;
	s6 =	sadd.s32 @!p0 $0x88, s6;
	s7 =	simm.s32 @p2 $0x1082  }
0x22: {  	[simem:s7], [sflag:s8] =	dma.local @!p0 [hbm:s6], $0xF7A  }
0x23: {  	s9 =	sor.u32 $0xD0000000, s2;
	s6 =	simm.s32 $0x108;
	_ =	swait.ge @!p0 [sflag:s8], $0x0  }
0x24: {  	s3 =	sadd.s32 $0x88, s3;
	s6 =	simm.s32 @!p1 $0x1082;
	[sflag:s4] =	ssyncset.s32 $0xFFFFF086  }
0x25: {  	[simem:s6], [sflag:s4] =	dma.local [hbm:s3], $0xF7A  }
0x26: {  	[smem:$0x3F9F] =	sst s1;
	(tag) =	ssettag s2;
	_ =	strace s9  }
0x27: {  	s1 =	sld [smem:$0x3FAF]  }
0x28: {  	s2 =	sld [smem:$0x3FB0]  }
0x29: {  	s4 =	sld [smem:$0x3FB2]  }
0x2a: {  	p0 =	seq.s32 s5, $0x0;
	s5 =	sld [smem:$0x3FB3]  }
0x2b: {  	s6 =	sld [smem:$0x3FB4]  }
0x2c: {  	s7 =	sld [smem:$0x3FB5]  }
0x2d: {  	s3 =	simm.s32 $0x108;
	s8 =	sld [smem:$0x3FB6]  }
0x2e: {  	s3 =	simm.s32 @!p0 $0x1082;
	s9 =	sld [smem:$0x3FB7]  }
0x2f: {  	lr =	sadd.s32 s0, s3;
	s0 =	sld [smem:$0x3FAE]  }
0x30: {  	s3 =	sld [smem:$0x3FB1]  }
0x31: {  	[smem:$0x3FBA] =	sst s10  }
0x32: {  	s10 =	sld [smem:$0x3FB8];
	_ =	sdelay $0x3  }
0x33: {  	p0 =	seq.s32 s10, $0x1;
	s10 =	sld [smem:$0x3FBA];
	_ =	sdelay $0x3  }
0x34: {  	[smem:$0x3FBA] =	sst s10  }
0x35: {  	s10 =	sld [smem:$0x3FB9];
	_ =	sdelay $0x3  }
0x36: {  	p1 =	seq.s32 s10, $0x1;
	s10 =	sld [smem:$0x3FBA];
	_ =	sdelay $0x3  }
0x37: {  	[smem:$0x3FBA] =	sst s10  }
0x38: {  	s10 =	sld [smem:$0x3FBB]  }
0x39: {  	_ = 	snop;
	(pc) =	sbr.ind lr, $3  }
0x3a: {  	_ = 	snop  }
0x3b: {  	_ = 	snop  }
0x3c: {  	p2 =	seq.s32 s10, $0x1;
	s10 =	sld [smem:$0x3FBA]  }
0x3d: {  	_ =	shalt  }
0x3e: {  	_ =	shalt  }
0x3f: {  	_ =	shalt  }
0x40: {  	_ =	shalt  }
0x41: {  	_ =	shalt  }
0x42: {  	_ =	shalt  }
0x43: {  	_ =	shalt  }
0x44: {  	_ =	shalt  }
0x45: {  	_ =	shalt  }
0x46: {  	_ =	shalt  }
0x47: {  	_ =	shalt  }
0x48: {  	_ =	shalt  }
0x49: {  	_ =	shalt  }
0x4a: {  	_ =	shalt  }
0x4b: {  	_ =	shalt  }
0x4c: {  	_ =	shalt  }
0x4d: {  	_ =	shalt  }
0x4e: {  	_ =	shalt  }
0x4f: {  	_ =	shalt  }
0x50: {  	_ =	shalt  }
0x51: {  	_ =	shalt  }
0x52: {  	_ =	shalt  }
0x53: {  	_ =	shalt  }
0x54: {  	_ =	shalt  }
0x55: {  	_ =	shalt  }
0x56: {  	_ =	shalt  }
0x57: {  	_ =	shalt  }
0x58: {  	_ =	shalt  }
0x59: {  	_ =	shalt  }
0x5a: {  	_ =	shalt  }
0x5b: {  	_ =	shalt  }
0x5c: {  	_ =	shalt  }
0x5d: {  	_ =	shalt  }
0x5e: {  	_ =	shalt  }
0x5f: {  	_ =	shalt  }
0x60: {  	_ =	shalt  }
0x61: {  	_ =	shalt  }
0x62: {  	_ =	shalt  }
0x63: {  	_ =	shalt  }
0x64: {  	_ =	shalt  }
0x65: {  	_ =	shalt  }
0x66: {  	_ =	shalt  }
0x67: {  	_ =	shalt  }
0x68: {  	_ =	shalt  }
0x69: {  	_ =	shalt  }
0x6a: {  	_ =	shalt  }
0x6b: {  	_ =	shalt  }
0x6c: {  	_ =	shalt  }
0x6d: {  	_ =	shalt  }
0x6e: {  	_ =	shalt  }
0x6f: {  	_ =	shalt  }
0x70: {  	_ =	shalt  }
0x71: {  	_ =	shalt  }
0x72: {  	_ =	shalt  }
0x73: {  	_ =	shalt  }
0x74: {  	_ =	shalt  }
0x75: {  	_ =	shalt  }
0x76: {  	_ =	shalt  }
0x77: {  	_ =	shalt  }
0x78: {  	_ =	shalt  }
0x79: {  	_ =	shalt  }
0x7a: {  	_ =	shalt  }
0x7b: {  	_ =	shalt  }
0x7c: {  	_ =	shalt  }
0x7d: {  	_ =	shalt  }
0x7e: {  	_ =	shalt  }
0x7f: {  	_ =	shalt  }
0x80: {  	_ =	shalt  }
0x81: {  	_ =	shalt  }
0x82: {  	_ =	shalt  }
0x83: {  	_ =	shalt  }
0x84: {  	_ =	shalt  }
0x85: {  	_ =	shalt  }
0x86: {  	_ =	shalt  }
0x87: {  	_ =	shalt  }
.Lfunc_end0:
.L_simem_size_0:
called_computation_lowered:
.L_overlay_start_0:
0x88: {  	s0 =	sld [smem:$0x3FD9]  }
0x89: {  	s1 =	sld [smem:$0x3FFE];
	_ =	sdelay $0x3  }
0x8a: {  	s0 =	sadd.s32 s1, s0  }
0x8b: {  	[smem:$0x3FC6] =	sst s0  }
0x8c: {  	_ = 	snop  }
0x8d: {  	s0 =	sld [smem:$0x3FC9]  }
0x8e: {  	s17 =	sld [smem:$0x3FC8]  }
0x8f: {  	s2 =	sld [smem:$0x3FD0];
	(tm) =	ssettm $0x1  }
0x90: {  	s3 =	sld [smem:$0x3FFB];
	_ =	sdelay $0x3  }
0x91: {  	_ =	strace s3  }
0x92: {  	s3 =	sld [smem:$0x3FFC];
	_ =	sdelay $0x3  }
0x93: {  	_ =	strace s3  }
0x94: {  	s3 =	sld [smem:$0x3FFD];
	_ =	sdelay $0x3  }
0x95: {  	_ =	strace s3  }
0x96: {  	_ =	strace $0x8FFFFFFF  }
0x97: {  	s18 =	sld [smem:$0x3FDB];
	_ =	sdelay $0x1  }
0x98: {  	s4 =	simm.s32 $_scs_section_size  }
0x99: {  	s5 =	simm.s32 $_size__tile_overlayer_lowered;
	s6 =	simm.s32 $_tile_overlayer_lowered  }
0x9a: {  	s21 =	simm.s32 $0x1BFF;
	s20 =	sshll.u32 s6, $0x1;
	s3 =	sadd.s32 s4, s18  }
0x9b: {  	s7 =	simm.s32 $0x0;
	s19 =	sshll.u32 s5, $0x1;
	s5 =	sadd.s32 s20, s3  }
0x9c: {  	[timem:s7], [sflag:s21] =	dma.local [hbm:s5], s19  }
0x9d: {  	_ =	swait.ge [sflag:s21], s19  }
0x9e: {  	s4 =	ssub.s32 $0x0, s19;
	[sflag:s21] =	ssyncset.done $0x0  }
0x9f: {  	[sflag:s21] =	ssyncadd.s32 s4;
	_ =	sdelay $0x1  }
0xa0: {  	s22 =	simm.s32 $0x1B8B  }
0xa1: {  	_ =	swait.ge [sflag:s22], $0x1  }
0xa2: {  	[sflag:s22] =	ssyncset.done $0x0  }
0xa3: {  	s23 =	simm.s32 $0x1B8E;
	[sflag:s22] =	ssyncadd.s32 $0xFFFFFFFF  }
0xa4: {  	s24 =	simm.s32 $execute0_lowered;
	[smem:$0x3FD2] =	sst s23  }
0xa5: {  	s4 =	sshll.u32 s24, $0x1;
	_ =	strace $0x80000046;
	[dreg:$0x1] =	wrdreg $0xFFFFFFFF  }
0xa6: {  	s25 =	simm.s32 $_size_execute0_lowered;
	s3 =	sadd.s32 s3, s4;
	[dreg:$0x0] =	wrdreg $0x0  }
0xa7: {  	s4 =	sshll.u32 s25, $0x1;
	[dreg:$0x2] =	wrdreg s3  }
0xa8: {  	[dreg:$0x3] =	wrdreg s4  }
0xa9: {  	[dreg:$0x4] =	wrdreg $0xC0  }
0xaa: {  	_ =	task [dreg:s7], $0x5FFFF  }
0xab: {  	[dreg:$0x1] =	wrdreg $0xFFFFFFFF  }
0xac: {  	[dreg:$0x0] =	wrdreg $0x60  }
0xad: {  	[dreg:$0x2] =	wrdreg s0  }
0xae: {  	[dreg:$0x3] =	wrdreg s17  }
0xaf: {  	[dreg:$0x4] =	wrdreg s2  }
0xb0: {  	[dreg:$0x5] =	wrdreg $0x19000  }
0xb1: {  	[dreg:$0x6] =	wrdreg $0x9  }
0xb2: {  	_ =	task.clear_ibuf [dreg:s7], $0x7FFFF;
	_ =	strace $0x90000046  }
0xb3: {  	s26 =	simm.s32 $0x9;
	_ =	strace $0x80000048  }
0xb4: {  	_ =	swait.ge [sflag:s26], $0x1  }
0xb5: {  	[sflag:s26] =	ssyncadd.s32 $0xFFFFFFFF  }
0xb6: {  	_ =	strace $0x90000048  }
0xb7: {  	_ =	sfence  }
0xb8: {  	s28 =	sld [smem:$0x0];
	_ =	sdelay $0x1  }
0xb9: {  	s29 =	srdreg.scid  }
0xba: {  	s30 =	sshll.u32 s29, $0xD;
	s31 =	sshrl.u32 s29, $0x2  }
0xbb: {  	s1 =	sand.u32 $0x1, s29;
	s2 =	sand.u32 $0x4000, s30;
	s0 =	sadd.s32 s31, s28  }
0xbc: {  	s1 =	sor.u32 s2, s1;
	s0 =	sshll.u32 s0, $0x11  }
0xbd: {  	s0 =	sor.u32 s0, s1  }
0xbe: {  	s0 =	sadd.s32 $0x8F2B, s0  }
0xbf: {  	[sflag:s0] =	ssyncadd.remote.s32 $0x1  }
0xc0: {  	_ =	sfence.sel $0xFFFF  }
0xc1: {  	[dreg:$0x0] =	wrdreg $0xFFFFFFFF;
	(pc) =	sbr.abs _section_cstart, $3  }
0xc2: {  	[dreg:$0x1] =	wrdreg $0xFFFFFFFF  }
0xc3: {  	_ =	task.clear_ibuf [dreg:s7], $0x2FFFF;
	_ =	strace $0x9FFFFFFF  }
0xc4: {  	(tm) =	ssettm $0x7FFFFFFF  }
0xc5: {  	_ =	shalt  }
tec
execute0_lowered:
.L_overlay_start_1:
0x0: {  	(tag) =	ssettag $0x1  }
0x1: {  	s3 =	rddreg [dreg:$0x0]  }
0x2: {  	s4 =	rddreg [dreg:$0x1];
	s6 =	stileid.u32  }
0x3: {  	s1 =	rddreg [dreg:$0x2];
	s7 =	smul.u32 $0xA86000, s6  }
0x4: {  	s5 =	rddreg [dreg:$0x3]  }
0x5: {  	s0 =	rddreg [dreg:$0x4];
	s2 =	simm.s32 $0x0;
	s7 =	sshrl.u32 s7, $0x3  }
0x6: {  	s8 =	simm.s32 $0x400;
	[smem:$0x7FF] =	sst s2;
	s3 =	sadd.s32 s3, s7  }
0x7: {  	s9 =	simm.s32 $0x1000;
	v0 =	vimm.s32 $0x32105432;
	_ =	strace $0x80000047;
	s7 =	sadd.s32 $0x54080, s3  }
0x8: {  	v1 =	vimm.s32 $0x10543210;
	[tilespmem:s2], [sflag:$0x1] =	stream.strided.gather [hbm4b:s7+s8], $0xC00, s9, s8, $0x38;
	[tilespmem:$0x1E10] =	vst v63  }
0x9: {  	s28 =	simm.s32 $0xC00;
	v0 =	vunpack.c.l.s4.s8 v0;
	v1 =	vunpack.c.l.s4.s8 v1;
	s3 =	sadd.s32 $0xFC680, s3  }
0xa: {  	[tilespmem:s28], [sflag:$0x1] =	stream.strided.gather [hbm4b:s3+s8], $0xC00, s9, s8, $0x38;
	[tilespmem:$0x1E10] =	vst v63  }
0xb: {  	v0 =	vunpack.c.0.s8.s32 v0;
	v1 =	vunpack.c.0.s8.s32 v1;
	s3 =	simm.s32 $0x1  }
0xc: {  	_ =	swait.ge [sflag:s3], $0x1800  }
0xd: {  	v0 =	vcombine.low v1, v0;
	[sflag:s3] =	ssyncset.done $0x0  }
0xe: {  	s29 =	simm.s32 $0x1800;
	[sflag:s3] =	ssyncadd.s32 $0xFFFFE800  }
0xf: {  	[tilespmem:s29], [sflag:$0x1] =	stream.linear.gather [hbm4b:s4+s2], $0x6, $0x38;
	[tilespmem:$0x1E10] =	vst v63  }
0x10: {  	_ =	swait.ge [sflag:s3], $0x6  }
0x11: {  	[sflag:s3] =	ssyncset.done $0x0  }
0x12: {  	[sflag:s3] =	ssyncadd.s32 $0xFFFFFFFA  }
0x13: {  	v0 =	vld.idx.msk [tilespmem:v0+s29+$0x0], $0xffff;
	_ =	sdelay $0x3  }
0x14: {  	v63 =	vimm.s32 $0xC61;
	vm0 =	vcmask $0x1700  }
0x15: {  	v1 =	vsel vm0, $0x61, v63;
	v0 =	vshll.u32 v0, $0x7  }
0x16: {  	v0 =	vadd.s32 v1, v0;
	_ =	sdelay $0x4  }
0x17: {  	v0 =	vld.idx.msk [tilespmem:v0+s2+$0x0], $0xffff;
	_ =	sdelay $0x3  }
0x18: {  	s30 =	sshll.u32 s6, $0x4  }
0x19: {  	s31 =	simm.s32 $0x1880;
	s4 =	sadd.s32 s30, s5;
	[tilespmem:$0x1880] =	vst v0  }
0x1a: {  	[spmem:s4] =	stream.linear.scatter [tilespmem:s31], [sflag:$0x1], $0x10, $0x38;
	[tilespmem:$0x1E10] =	vst v63  }
0x1b: {  	_ =	swait.ge [sflag:s3], $0x10  }
0x1c: {  	[sflag:s3] =	ssyncset.done $0x0  }
0x1d: {  	[sflag:s3] =	ssyncadd.s32 $0xFFFFFFF0  }
0x1e: {  	p0 =	sne.s32 s6, $0x0;
	[bflag:$0x0] =	sbarrier.arrive $0xFFFF  }
0x1f: {  	_ =	sfence.sel @p0 $0x180000  }
0x20: {  	[bflag:$0x0] =	sbarrier.arrive @p0 $0xFFFF  }
0x21: {  	_ =	strace @p0 $0x90000047  }
0x22: {  	[bflag:$0x2] =	sbarrier.arrive @p0 $0xFFFF  }
0x23: {  	_ =	shalt @p0  }
.LBB2_1:
0x24: {  	v0 =	vimm.s32 $0x56504640;
	v1 =	vimm.s32 $0x76706660  }
0x25: {  	v2 =	vimm.s32 $0x16100600;
	v3 =	vimm.s32 $0x36302620;
	v0 =	vunpack.c.0.s8.s32 v0  }
0x26: {  	v1 =	vunpack.c.0.s8.s32 v1;
	v2 =	vunpack.c.0.s8.s32 v2;
	v3 =	vunpack.c.0.s8.s32 v3  }
0x27: {  	vm0 =	vcmask $0x1F10  }
0x28: {  	v0 =	vsel vm0, v1, v0;
	v50 =	vsel vm0, v3, v2  }
0x29: {  	v51 =	vimm.s32 $0xD6D0C6C0;
	v53 =	vimm.s32 $0xF6F0E6E0;
	v0 =	vcombine.low v50, v0  }
0x2a: {  	s4 =	simm.s32 $0x1910;
	v54 =	vimm.s32 $0x96908680;
	v4 =	vimm.s32 $0xB6B0A6A0;
	v52 =	vunpack.c.0.s8.s32 v51  }
0x2b: {  	[tilespmem:s4], [sflag:$0x1] =	stream.linear.gather [spmem:s5], $0x100, $0x38;
	v4 =	vunpack.c.0.s8.s32 v4;
	v2 =	vunpack.c.0.s8.s32 v53;
	v3 =	vunpack.c.0.s8.s32 v54;
	[tilespmem:$0x1E10] =	vst v63  }
0x2c: {  	_ =	swait.ge [sflag:s3], $0x100  }
0x2d: {  	[sflag:s3] =	ssyncset.done $0x0;
	v1 =	vsel vm0, v2, v52;
	v55 =	vsel vm0, v4, v3  }
0x2e: {  	[sflag:s3] =	ssyncadd.s32 $0xFFFFFF00;
	v1 =	vcombine.low v55, v1  }
0x2f: {  	v0 =	vld.idx.msk [tilespmem:v0+s4+$0x0], $0xffff  }
0x30: {  	v56 =	vimm.s32 $0x57514741;
	v5 =	vimm.s32 $0x37312721;
	v1 =	vand.u32 $0xFF, v1  }
0x31: {  	v57 =	vimm.s32 $0x77716761;
	v58 =	vimm.s32 $0x17110701;
	v5 =	vunpack.c.0.s8.s32 v5  }
0x32: {  	v2 =	vunpack.c.0.s8.s32 v56;
	v3 =	vunpack.c.0.s8.s32 v57;
	v4 =	vunpack.c.0.s8.s32 v58;
	_ =	sdelay $0x1  }
0x33: {  	v59 =	vsel vm0, v3, v2;
	v60 =	vsel vm0, v5, v4;
	[tilespmem:$0x1A10] =	vst v0  }
0x34: {  	v61 =	vimm.s32 $0xD7D1C7C1;
	v63 =	vimm.s32 $0xF7F1E7E1;
	v0 =	vcombine.low v60, v59;
	v1 =	vld.idx.msk [tilespmem:v1+s4+$0x0], $0xffff  }
0x35: {  	v8 =	vimm.s32 $0x97918781;
	v9 =	vimm.s32 $0xB7B1A7A1;
	v62 =	vunpack.c.0.s8.s32 v61  }
0x36: {  	v3 =	vunpack.c.0.s8.s32 v63;
	v4 =	vunpack.c.0.s8.s32 v8;
	v5 =	vunpack.c.0.s8.s32 v9;
	_ =	sdelay $0x1  }
0x37: {  	v2 =	vsel vm0, v3, v62;
	v10 =	vsel vm0, v5, v4  }
0x38: {  	v11 =	vcombine.low v10, v2;
	[tilespmem:$0x1A20] =	vst v1  }
0x39: {  	v0 =	vld.idx.msk [tilespmem:v0+s4+$0x0], $0xffff  }
0x3a: {  	v12 =	vimm.s32 $0x58524842;
	v13 =	vimm.s32 $0x78726862;
	v1 =	vand.u32 $0xFF, v11  }
0x3b: {  	v14 =	vimm.s32 $0x18120802;
	v15 =	vimm.s32 $0x38322822;
	v3 =	vunpack.c.0.s8.s32 v13  }
0x3c: {  	v4 =	vunpack.c.0.s8.s32 v14;
	v5 =	vunpack.c.0.s8.s32 v15;
	v2 =	vunpack.c.0.s8.s32 v12;
	_ =	sdelay $0x1  }
0x3d: {  	v17 =	vsel vm0, v5, v4;
	v16 =	vsel vm0, v3, v2;
	[tilespmem:$0x1A90] =	vst v0  }
0x3e: {  	v18 =	vimm.s32 $0xD8D2C8C2;
	v20 =	vimm.s32 $0xF8F2E8E2;
	v0 =	vcombine.low v17, v16;
	v1 =	vld.idx.msk [tilespmem:v1+s4+$0x0], $0xffff  }
0x3f: {  	v21 =	vimm.s32 $0x98928882;
	v22 =	vimm.s32 $0xB8B2A8A2;
	v19 =	vunpack.c.0.s8.s32 v18  }
0x40: {  	v4 =	vunpack.c.0.s8.s32 v21;
	v5 =	vunpack.c.0.s8.s32 v22;
	v3 =	vunpack.c.0.s8.s32 v20;
	_ =	sdelay $0x1  }
0x41: {  	v23 =	vsel vm0, v5, v4;
	v2 =	vsel vm0, v3, v19  }
0x42: {  	v24 =	vcombine.low v23, v2;
	[tilespmem:$0x1AA0] =	vst v1  }
0x43: {  	v0 =	vld.idx.msk [tilespmem:v0+s4+$0x0], $0xffff  }
0x44: {  	v25 =	vimm.s32 $0x59534943;
	v27 =	vimm.s32 $0x19130903;
	v1 =	vand.u32 $0xFF, v24  }
0x45: {  	v26 =	vimm.s32 $0x79736963;
	v28 =	vimm.s32 $0x39332923;
	v4 =	vunpack.c.0.s8.s32 v27  }
0x46: {  	v5 =	vunpack.c.0.s8.s32 v28;
	v3 =	vunpack.c.0.s8.s32 v26;
	v2 =	vunpack.c.0.s8.s32 v25;
	_ =	sdelay $0x1  }
0x47: {  	v30 =	vsel vm0, v5, v4;
	v29 =	vsel vm0, v3, v2;
	[tilespmem:$0x1B10] =	vst v0  }
0x48: {  	v31 =	vimm.s32 $0xD9D3C9C3;
	v33 =	vimm.s32 $0xF9F3E9E3;
	v0 =	vcombine.low v30, v29;
	v1 =	vld.idx.msk [tilespmem:v1+s4+$0x0], $0xffff  }
0x49: {  	v34 =	vimm.s32 $0x99938983;
	v35 =	vimm.s32 $0xB9B3A9A3;
	v32 =	vunpack.c.0.s8.s32 v31  }
0x4a: {  	v4 =	vunpack.c.0.s8.s32 v34;
	v5 =	vunpack.c.0.s8.s32 v35;
	v3 =	vunpack.c.0.s8.s32 v33;
	_ =	sdelay $0x1  }
0x4b: {  	v36 =	vsel vm0, v5, v4;
	v2 =	vsel vm0, v3, v32  }
0x4c: {  	v37 =	vcombine.low v36, v2;
	[tilespmem:$0x1B20] =	vst v1  }
0x4d: {  	v0 =	vld.idx.msk [tilespmem:v0+s4+$0x0], $0xffff  }
0x4e: {  	v38 =	vimm.s32 $0x5A544A44;
	v40 =	vimm.s32 $0x1A140A04;
	v1 =	vand.u32 $0xFF, v37  }
0x4f: {  	v39 =	vimm.s32 $0x7A746A64;
	v41 =	vimm.s32 $0x3A342A24;
	v4 =	vunpack.c.0.s8.s32 v40  }
0x50: {  	v5 =	vunpack.c.0.s8.s32 v41;
	v3 =	vunpack.c.0.s8.s32 v39;
	v2 =	vunpack.c.0.s8.s32 v38;
	_ =	sdelay $0x1  }
0x51: {  	v43 =	vsel vm0, v5, v4;
	v42 =	vsel vm0, v3, v2;
	[tilespmem:$0x1B90] =	vst v0  }
0x52: {  	v44 =	vimm.s32 $0xDAD4CAC4;
	v46 =	vimm.s32 $0xFAF4EAE4;
	v0 =	vcombine.low v43, v42;
	v1 =	vld.idx.msk [tilespmem:v1+s4+$0x0], $0xffff  }
0x53: {  	v47 =	vimm.s32 $0x9A948A84;
	v48 =	vimm.s32 $0xBAB4AAA4;
	v45 =	vunpack.c.0.s8.s32 v44  }
0x54: {  	v4 =	vunpack.c.0.s8.s32 v47;
	v5 =	vunpack.c.0.s8.s32 v48;
	v3 =	vunpack.c.0.s8.s32 v46;
	_ =	sdelay $0x1  }
0x55: {  	v49 =	vsel vm0, v5, v4;
	v2 =	vsel vm0, v3, v45  }
0x56: {  	v50 =	vcombine.low v49, v2;
	[tilespmem:$0x1BA0] =	vst v1  }
0x57: {  	v0 =	vld.idx.msk [tilespmem:v0+s4+$0x0], $0xffff  }
0x58: {  	v51 =	vimm.s32 $0x5B554B45;
	v53 =	vimm.s32 $0x1B150B05;
	v1 =	vand.u32 $0xFF, v50  }
0x59: {  	v54 =	vimm.s32 $0x3B352B25;
	v52 =	vimm.s32 $0x7B756B65;
	v4 =	vunpack.c.0.s8.s32 v53  }
0x5a: {  	v5 =	vunpack.c.0.s8.s32 v54;
	v3 =	vunpack.c.0.s8.s32 v52;
	v2 =	vunpack.c.0.s8.s32 v51;
	_ =	sdelay $0x1  }
0x5b: {  	v56 =	vsel vm0, v5, v4;
	v55 =	vsel vm0, v3, v2;
	[tilespmem:$0x1C10] =	vst v0  }
0x5c: {  	v61 =	vimm.s32 $0xBBB5ABA5;
	v57 =	vimm.s32 $0xDBD5CBC5;
	v0 =	vcombine.low v56, v55;
	v1 =	vld.idx.msk [tilespmem:v1+s4+$0x0], $0xffff  }
0x5d: {  	v58 =	vunpack.c.0.s8.s32 v57;
	v59 =	vimm.s32 $0xFBF5EBE5;
	v60 =	vimm.s32 $0x9B958B85  }
0x5e: {  	v4 =	vunpack.c.0.s8.s32 v60;
	v5 =	vunpack.c.0.s8.s32 v61;
	v3 =	vunpack.c.0.s8.s32 v59;
	_ =	sdelay $0x1  }
0x5f: {  	v62 =	vsel vm0, v5, v4;
	v2 =	vsel vm0, v3, v58  }
0x60: {  	v63 =	vcombine.low v62, v2;
	[tilespmem:$0x1C20] =	vst v1  }
0x61: {  	v0 =	vld.idx.msk [tilespmem:v0+s4+$0x0], $0xffff  }
0x62: {  	v1 =	vand.u32 $0xFF, v63;
	_ =	sdelay $0x3  }
0x63: {  	[tilespmem:$0x1C90] =	vst v0  }
0x64: {  	v0 =	vld.idx.msk [tilespmem:v1+s4+$0x0], $0xffff;
	_ =	sdelay $0x4  }
0x65: {  	s31 =	simm.s32 $0x1A10;
	[tilespmem:$0x1CA0] =	vst v0  }
0x66: {  	[hbm4b:s1+s2] =	stream.linear.scatter [tilespmem:s31], [sflag:$0x1], $0x300, $0x38;
	[tilespmem:$0x1E10] =	vst v63  }
0x67: {  	_ =	swait.ge [sflag:s3], $0x300  }
0x68: {  	[sflag:s3] =	ssyncset.done $0x0  }
0x69: {  	[sflag:s3] =	ssyncadd.s32 $0xFFFFFD00  }
0x6a: {  	_ =	sfence.sel $0x180000  }
0x6b: {  	[bflag:$0x0] =	sbarrier.arrive $0xFFFF  }
0x6c: {  	_ =	strace $0x90000047  }
0x6d: {  	s0 =	sadd.s32 $0x100000, s0;
	[bflag:$0x2] =	sbarrier.arrive $0xFFFF  }
0x6e: {  	[sflag:s0] =	ssyncadd.tile.s32 $0x1;
	_ =	shalt  }
.Lfunc_end2:
_tile_overlayer_lowered:
.L_overlay_start_2:
0x6f: {  	(tag) =	ssettag $0x2  }
0x70: {  	s0 =	rddreg [dreg:$0x0];
	s2 =	stileid.u32  }
0x71: {  	s1 =	rddreg [dreg:$0x1];
	p0 =	sne.s32 s2, $0x0  }
0x72: {  	s3 =	rddreg [dreg:$0x2];
	[bflag:$0x3] =	sbarrier.arrive $0xFFFF;
	s2 =	simm.s32 @!p0 $0x1C01  }
0x73: {  	[timem:s3], [sflag:s2] =	dma.local @!p0 [hbm:s0], s1  }
0x74: {  	s0 =	simm.s32 @!p0 $0x1  }
0x75: {  	_ =	swait.ge @!p0 [sflag:s0], s1  }
0x76: {  	s1 =	ssub.s32 @!p0 $0x0, s1;
	[sflag:s0] =	ssyncset.done @!p0 $0x0  }
0x77: {  	[sflag:s0] =	ssyncadd.s32 @!p0 s1  }
0x78: {  	[bflag:$0x3] =	sbarrier.arrive $0xFFFF  }
0x79: {  	_ =	shalt  }

</sc_bundles>
